<compile_context>
chip_gen: v7x
topology: tpu7x:2x2x1
jax: 0.10.2.dev20260603
libtpu: 0.0.44.dev20260713+nightly
codegen_flags: <defaults>
</compile_context>

<pallas_src>
import functools

import jax
import jax.numpy as jnp
from jax import lax
from jax.experimental import pallas as pl
from jax.experimental.pallas import tpu as pltpu
from jax.experimental.pallas import tpu_sc as plsc

C, L, P, H, Dh = 100, 12, 20, 12, 64
SLAB = P * H * Dh
NROWS = L * SLAB
NSUB = 16
EPW = SLAB // NSUB
NLANE = 16

_MESH = plsc.VectorSubcoreMesh(core_axis_name="c", subcore_axis_name="s")


@functools.partial(
    pl.kernel,
    mesh=_MESH,
    out_type=[
        jax.ShapeDtypeStruct((SLAB,), jnp.float32),
        jax.ShapeDtypeStruct((SLAB,), jnp.float32),
    ],
    scratch_types=[
        pltpu.VMEM((2 * NLANE,), jnp.int32),
        pltpu.VMEM((EPW, C), jnp.float32),
        pltpu.VMEM((EPW,), jnp.float32),
    ],
    compiler_params=pltpu.CompilerParams(needs_layout_passes=False),
)
def _gather_slab(idx_hbm, key_hbm, value_hbm, k_out, v_out, idx_v, buf, out_v):
    c = lax.axis_index("c")
    s = lax.axis_index("s")
    pltpu.sync_copy(idx_hbm, idx_v)
    cls_vec = idx_v[pl.ds(0, NLANE)]
    lay = jnp.max(idx_v[pl.ds(NLANE, NLANE)])
    iota = lax.iota(jnp.int32, NLANE)
    base = pl.multiple_of(lay * SLAB + s * EPW, 8)

    def extract(src):
        pltpu.sync_copy(src.at[pl.ds(base, EPW)], buf)

        @pl.loop(0, EPW // NLANE)
        def _(i):
            j = i * NLANE + iota
            vals = plsc.load_gather(buf, [j, cls_vec])
            out_v[pl.ds(pl.multiple_of(i * NLANE, NLANE), NLANE)] = vals

    @pl.when(c == 0)
    def _():
        extract(key_hbm)
        pltpu.sync_copy(out_v, k_out.at[pl.ds(s * EPW, EPW)])

    @pl.when(c == 1)
    def _():
        extract(value_hbm)
        pltpu.sync_copy(out_v, v_out.at[pl.ds(s * EPW, EPW)])


def kernel(key, value, class_idx, layer_idx):
    cls = jnp.asarray(class_idx, jnp.int32)
    lay = jnp.asarray(layer_idx, jnp.int32)
    idx = jnp.concatenate(
        [jnp.full((NLANE,), cls, jnp.int32), jnp.full((NLANE,), lay, jnp.int32)]
    )
    kt = jnp.transpose(key, (1, 2, 3, 4, 0)).reshape(NROWS, C)
    vt = jnp.transpose(value, (1, 2, 3, 4, 0)).reshape(NROWS, C)
    ko, vo = _gather_slab(idx, kt, vt)
    return ko.reshape(P, H, Dh), vo.reshape(P, H, Dh)

# --- scband reference (transcript-rebuilt; emitter-appended) ---
"""Pipeline reference for scband-classwise-prefix-kv-35931696398374 (READ-ONLY COPY).

The authoritative reference and input builder live on the scoring server;
editing this copy changes nothing except your own understanding.
"""

import jax, jax.numpy as jnp
import numpy as np

C, L, P, H, Dh = 100, 12, 20, 12, 64
INIT_STD = 0.02

def setup_inputs(seed: int = 0) -> dict:
    key = jax.random.key(seed)
    k1, k2 = jax.random.split(key)
    key_param = jax.random.normal(k1, (C, L, P, H, Dh), dtype=jnp.float32) * INIT_STD
    value_param = jax.random.normal(k2, (C, L, P, H, Dh), dtype=jnp.float32) * INIT_STD
    return {"key": key_param, "value": value_param, "class_idx": 7, "layer_idx": 5}

def reference(key, value, class_idx, layer_idx):
    # layer_kv: pure gather of one (class, layer) slab from each prefix table
    k = jnp.take(jnp.take(key, class_idx, axis=0), layer_idx, axis=0)
    v = jnp.take(jnp.take(value, class_idx, axis=0), layer_idx, axis=0)
    return (k, v)

if __name__ == "__main__":
    import jax
    _d = setup_inputs()
    print(jax.jit(kernel)(*tuple(_d.values())))

</pallas_src>

<mosaic_0001>
#map = affine_map<(d0, d1) -> (0)>
#map1 = affine_map<(d0, d1) -> (0, 0)>
module attributes {stable_mosaic.version = 14 : i64} {
  func.func @_gather_slab(%arg0: i32, %arg1: i32, %arg2: memref<32xi32, #tpu.memory_space<hbm>>, %arg3: memref<184320x100xf32, #tpu.memory_space<hbm>>, %arg4: memref<184320x100xf32, #tpu.memory_space<hbm>>, %arg5: memref<15360xf32, #tpu.memory_space<hbm>>, %arg6: memref<15360xf32, #tpu.memory_space<hbm>>, %arg7: memref<32xi32, #tpu.memory_space<vmem>>, %arg8: memref<960x100xf32, #tpu.memory_space<vmem>>, %arg9: memref<960xf32, #tpu.memory_space<vmem>>) attributes {dimension_semantics = [#tpu.dimension_semantics<core_parallel>, #tpu.dimension_semantics<subcore_parallel>], iteration_bounds = array<i64: 2, 16>, scalar_prefetch = 0 : i64, scratch_operands = 3 : i64, tpu.core_type = #tpu.core_type<sc_vector_subcore>, window_params = [{transform_indices = #map}, {transform_indices = #map1}, {transform_indices = #map1}, {transform_indices = #map}, {transform_indices = #map}]} {
    "tpu.region"() ({
      %run_scoped3A = tpu.sem_alloc : memref<!tpu.dma_semaphore, #tpu.memory_space<semaphore_mem>>
      tpu.enqueue_dma source(%arg2 : memref<32xi32, #tpu.memory_space<hbm>>) target(%arg7 : memref<32xi32, #tpu.memory_space<vmem>>) target_semaphore(%run_scoped3A : memref<!tpu.dma_semaphore, #tpu.memory_space<semaphore_mem>>)
      tpu.wait_dma2 semaphore(%run_scoped3A : memref<!tpu.dma_semaphore, #tpu.memory_space<semaphore_mem>>) src(%arg2 : memref<32xi32, #tpu.memory_space<hbm>>) dst(%arg7 : memref<32xi32, #tpu.memory_space<vmem>>)
      tpu.yield
    }) : () -> ()
    %get3A = arith.constant 0 : index
    %get3A_0 = tpu.vector_load %arg7[%get3A] {strides = array<i32>} : memref<32xi32, #tpu.memory_space<vmem>>, vector<16xi32>,
    %get3A_1 = arith.constant 16 : index
    %get3A_2 = tpu.vector_load %arg7[%get3A_1] {strides = array<i32>} : memref<32xi32, #tpu.memory_space<vmem>>, vector<16xi32>,
    %reduce_max3A = arith.constant true
    %reduce_max3A_3 = vector.broadcast %reduce_max3A : i1 to vector<16xi1>
    %reduce_max3A_4 = arith.constant -2147483648 : i32
    %reduce_max3A_5 = vector.broadcast %reduce_max3A_4 : i32 to vector<16xi32>
    %reduce_max3A_6 = arith.xori %get3A_2, %reduce_max3A_5 : vector<16xi32>
    %reduce_max3A_7 = tpu.scan <max>, %reduce_max3A_6 masked %reduce_max3A_3 : vector<16xi32>, vector<16xi1> -> vector<16xi32>
    %reduce_max3A_8 = arith.xori %reduce_max3A_7, %reduce_max3A_5 : vector<16xi32>
    %reduce_max3A_9 = vector.extract %reduce_max3A_8[15] : i32 from vector<16xi32>
    %iota3A = tpu.iota {dimensions = array<i32: 0>} : vector<16xi32>
    %mul3A = arith.constant 15360 : i32
    %mul3A_10 = arith.muli %reduce_max3A_9, %mul3A : i32
    %mul3A_11 = arith.constant 960 : i32
    %mul3A_12 = arith.muli %arg1, %mul3A_11 : i32
    %add3A = arith.addi %mul3A_10, %mul3A_12 : i32
    %multiple_of3A = tpu.assume_multiple %add3A, 8 : i32
    %eq3A = arith.constant 0 : i32
    %eq3A_13 = arith.cmpi eq, %arg0, %eq3A : i32
    %convert_element_type3A = arith.extui %eq3A_13 : i1 to i32
    %cond3A = arith.constant 0 : i32
    %cond3A_14 = arith.cmpi ne, %convert_element_type3A, %cond3A : i32
    scf.if %cond3A_14 {
      "tpu.region"() ({
        %run_scoped3A = tpu.sem_alloc : memref<!tpu.dma_semaphore, #tpu.memory_space<semaphore_mem>>
        %dma_start3A = arith.constant 0 : i32
        %dma_start3A_26 = tpu.memref_slice %arg3[%multiple_of3A, %dma_start3A] : memref<184320x100xf32, #tpu.memory_space<hbm>> -> memref<960x100xf32, #tpu.memory_space<hbm>>
        %dma_start3A_27 = arith.constant 0 : i32
        %dma_start3A_28 = tpu.memref_slice %arg3[%multiple_of3A, %dma_start3A_27] : memref<184320x100xf32, #tpu.memory_space<hbm>> -> memref<960x100xf32, #tpu.memory_space<hbm>>
        tpu.enqueue_dma source(%dma_start3A_28 : memref<960x100xf32, #tpu.memory_space<hbm>>) target(%arg8 : memref<960x100xf32, #tpu.memory_space<vmem>>) target_semaphore(%run_scoped3A : memref<!tpu.dma_semaphore, #tpu.memory_space<semaphore_mem>>)
        %dma_wait3A = arith.constant 0 : i32
        %dma_wait3A_29 = tpu.memref_slice %arg3[%multiple_of3A, %dma_wait3A] : memref<184320x100xf32, #tpu.memory_space<hbm>> -> memref<960x100xf32, #tpu.memory_space<hbm>>
        %dma_wait3A_30 = arith.constant 0 : i32
        %dma_wait3A_31 = tpu.memref_slice %arg3[%multiple_of3A, %dma_wait3A_30] : memref<184320x100xf32, #tpu.memory_space<hbm>> -> memref<960x100xf32, #tpu.memory_space<hbm>>
        tpu.wait_dma2 semaphore(%run_scoped3A : memref<!tpu.dma_semaphore, #tpu.memory_space<semaphore_mem>>) src(%dma_wait3A_31 : memref<960x100xf32, #tpu.memory_space<hbm>>) dst(%arg8 : memref<960x100xf32, #tpu.memory_space<vmem>>)
        tpu.yield
      }) : () -> ()
      %scan3A = arith.constant 0 : i32
      %scan3A_20 = arith.constant 60 : i32
      %scan3A_21 = arith.addi %scan3A, %scan3A_20 : i32
      %scan3A_22 = arith.constant 1 : i32
      scf.for %scan3A_26 = %scan3A to %scan3A_21 step %scan3A_22  : i32 {
        %mul3A_27 = arith.constant 1 : i32
        %mul3A_28 = arith.muli %scan3A_26, %mul3A_27 : i32
        %add3A_29 = arith.constant 0 : i32
        %add3A_30 = arith.addi %add3A_29, %mul3A_28 : i32
        %mul3A_31 = arith.constant 16 : i32
        %mul3A_32 = arith.muli %add3A_30, %mul3A_31 : i32
        %add3A_33 = vector.broadcast %mul3A_32 : i32 to vector<16xi32>
        %add3A_34 = arith.addi %add3A_33, %iota3A : vector<16xi32>
        %gather3A = tpu.vector_load_idx %arg8[%add3A_34, %get3A_0] : memref<960x100xf32, #tpu.memory_space<vmem>>[vector<16xi32>, vector<16xi32>], vector<16xf32>,
        %mul3A_35 = arith.constant 16 : i32
        %mul3A_36 = arith.muli %add3A_30, %mul3A_35 : i32
        %multiple_of3A_37 = tpu.assume_multiple %mul3A_36, 16 : i32
        %swap3A = arith.index_cast %multiple_of3A_37 : i32 to index
        %swap3A_38 = tpu.vector_load %arg9[%swap3A] {strides = array<i32>} : memref<960xf32, #tpu.memory_space<vmem>>, vector<16xf32>,
        tpu.vector_store %arg9[%swap3A], %gather3A {strides = array<i32>} : memref<960xf32, #tpu.memory_space<vmem>>, vector<16xf32>,
      }
      %scan3A_23 = arith.constant 60 : i32
      %mul3A_24 = arith.constant 960 : i32
      %mul3A_25 = arith.muli %arg1, %mul3A_24 : i32
      "tpu.region"() ({
        %run_scoped3A = tpu.sem_alloc : memref<!tpu.dma_semaphore, #tpu.memory_space<semaphore_mem>>
        %dma_start3A = tpu.memref_slice %arg5[%mul3A_25] : memref<15360xf32, #tpu.memory_space<hbm>> -> memref<960xf32, #tpu.memory_space<hbm>>
        %dma_start3A_26 = tpu.memref_slice %arg5[%mul3A_25] : memref<15360xf32, #tpu.memory_space<hbm>> -> memref<960xf32, #tpu.memory_space<hbm>>
        tpu.enqueue_dma source(%arg9 : memref<960xf32, #tpu.memory_space<vmem>>) target(%dma_start3A_26 : memref<960xf32, #tpu.memory_space<hbm>>) target_semaphore(%run_scoped3A : memref<!tpu.dma_semaphore, #tpu.memory_space<semaphore_mem>>)
        %dma_wait3A = tpu.memref_slice %arg5[%mul3A_25] : memref<15360xf32, #tpu.memory_space<hbm>> -> memref<960xf32, #tpu.memory_space<hbm>>
        %dma_wait3A_27 = tpu.memref_slice %arg5[%mul3A_25] : memref<15360xf32, #tpu.memory_space<hbm>> -> memref<960xf32, #tpu.memory_space<hbm>>
        tpu.wait_dma2 semaphore(%run_scoped3A : memref<!tpu.dma_semaphore, #tpu.memory_space<semaphore_mem>>) src(%arg9 : memref<960xf32, #tpu.memory_space<vmem>>) dst(%dma_wait3A_27 : memref<960xf32, #tpu.memory_space<hbm>>)
        tpu.yield
      }) : () -> ()
    } else {
    }
    %eq3A_15 = arith.constant 1 : i32
    %eq3A_16 = arith.cmpi eq, %arg0, %eq3A_15 : i32
    %convert_element_type3A_17 = arith.extui %eq3A_16 : i1 to i32
    %cond3A_18 = arith.constant 0 : i32
    %cond3A_19 = arith.cmpi ne, %convert_element_type3A_17, %cond3A_18 : i32
    scf.if %cond3A_19 {
      "tpu.region"() ({
        %run_scoped3A = tpu.sem_alloc : memref<!tpu.dma_semaphore, #tpu.memory_space<semaphore_mem>>
        %dma_start3A = arith.constant 0 : i32
        %dma_start3A_26 = tpu.memref_slice %arg4[%multiple_of3A, %dma_start3A] : memref<184320x100xf32, #tpu.memory_space<hbm>> -> memref<960x100xf32, #tpu.memory_space<hbm>>
        %dma_start3A_27 = arith.constant 0 : i32
        %dma_start3A_28 = tpu.memref_slice %arg4[%multiple_of3A, %dma_start3A_27] : memref<184320x100xf32, #tpu.memory_space<hbm>> -> memref<960x100xf32, #tpu.memory_space<hbm>>
        tpu.enqueue_dma source(%dma_start3A_28 : memref<960x100xf32, #tpu.memory_space<hbm>>) target(%arg8 : memref<960x100xf32, #tpu.memory_space<vmem>>) target_semaphore(%run_scoped3A : memref<!tpu.dma_semaphore, #tpu.memory_space<semaphore_mem>>)
        %dma_wait3A = arith.constant 0 : i32
        %dma_wait3A_29 = tpu.memref_slice %arg4[%multiple_of3A, %dma_wait3A] : memref<184320x100xf32, #tpu.memory_space<hbm>> -> memref<960x100xf32, #tpu.memory_space<hbm>>
        %dma_wait3A_30 = arith.constant 0 : i32
        %dma_wait3A_31 = tpu.memref_slice %arg4[%multiple_of3A, %dma_wait3A_30] : memref<184320x100xf32, #tpu.memory_space<hbm>> -> memref<960x100xf32, #tpu.memory_space<hbm>>
        tpu.wait_dma2 semaphore(%run_scoped3A : memref<!tpu.dma_semaphore, #tpu.memory_space<semaphore_mem>>) src(%dma_wait3A_31 : memref<960x100xf32, #tpu.memory_space<hbm>>) dst(%arg8 : memref<960x100xf32, #tpu.memory_space<vmem>>)
        tpu.yield
      }) : () -> ()
      %scan3A = arith.constant 0 : i32
      %scan3A_20 = arith.constant 60 : i32
      %scan3A_21 = arith.addi %scan3A, %scan3A_20 : i32
      %scan3A_22 = arith.constant 1 : i32
      scf.for %scan3A_26 = %scan3A to %scan3A_21 step %scan3A_22  : i32 {
        %mul3A_27 = arith.constant 1 : i32
        %mul3A_28 = arith.muli %scan3A_26, %mul3A_27 : i32
        %add3A_29 = arith.constant 0 : i32
        %add3A_30 = arith.addi %add3A_29, %mul3A_28 : i32
        %mul3A_31 = arith.constant 16 : i32
        %mul3A_32 = arith.muli %add3A_30, %mul3A_31 : i32
        %add3A_33 = vector.broadcast %mul3A_32 : i32 to vector<16xi32>
        %add3A_34 = arith.addi %add3A_33, %iota3A : vector<16xi32>
        %gather3A = tpu.vector_load_idx %arg8[%add3A_34, %get3A_0] : memref<960x100xf32, #tpu.memory_space<vmem>>[vector<16xi32>, vector<16xi32>], vector<16xf32>,
        %mul3A_35 = arith.constant 16 : i32
        %mul3A_36 = arith.muli %add3A_30, %mul3A_35 : i32
        %multiple_of3A_37 = tpu.assume_multiple %mul3A_36, 16 : i32
        %swap3A = arith.index_cast %multiple_of3A_37 : i32 to index
        %swap3A_38 = tpu.vector_load %arg9[%swap3A] {strides = array<i32>} : memref<960xf32, #tpu.memory_space<vmem>>, vector<16xf32>,
        tpu.vector_store %arg9[%swap3A], %gather3A {strides = array<i32>} : memref<960xf32, #tpu.memory_space<vmem>>, vector<16xf32>,
      }
      %scan3A_23 = arith.constant 60 : i32
      %mul3A_24 = arith.constant 960 : i32
      %mul3A_25 = arith.muli %arg1, %mul3A_24 : i32
      "tpu.region"() ({
        %run_scoped3A = tpu.sem_alloc : memref<!tpu.dma_semaphore, #tpu.memory_space<semaphore_mem>>
        %dma_start3A = tpu.memref_slice %arg6[%mul3A_25] : memref<15360xf32, #tpu.memory_space<hbm>> -> memref<960xf32, #tpu.memory_space<hbm>>
        %dma_start3A_26 = tpu.memref_slice %arg6[%mul3A_25] : memref<15360xf32, #tpu.memory_space<hbm>> -> memref<960xf32, #tpu.memory_space<hbm>>
        tpu.enqueue_dma source(%arg9 : memref<960xf32, #tpu.memory_space<vmem>>) target(%dma_start3A_26 : memref<960xf32, #tpu.memory_space<hbm>>) target_semaphore(%run_scoped3A : memref<!tpu.dma_semaphore, #tpu.memory_space<semaphore_mem>>)
        %dma_wait3A = tpu.memref_slice %arg6[%mul3A_25] : memref<15360xf32, #tpu.memory_space<hbm>> -> memref<960xf32, #tpu.memory_space<hbm>>
        %dma_wait3A_27 = tpu.memref_slice %arg6[%mul3A_25] : memref<15360xf32, #tpu.memory_space<hbm>> -> memref<960xf32, #tpu.memory_space<hbm>>
        tpu.wait_dma2 semaphore(%run_scoped3A : memref<!tpu.dma_semaphore, #tpu.memory_space<semaphore_mem>>) src(%arg9 : memref<960xf32, #tpu.memory_space<vmem>>) dst(%dma_wait3A_27 : memref<960xf32, #tpu.memory_space<hbm>>)
        tpu.yield
      }) : () -> ()
    } else {
    }
    return
  }
}

</mosaic_0001>

<sc_bundles>
// kernel: kernel.3.cloned.1.call-start
scs
__scs_entry_jumppad:
0x0: {  	(pc) =	sbr.rel $0x88, $3  }
0x1: {  	(tag) =	ssettag $0x0;
	lr =	simm.s32 $0x1  }
0x2: {  	[smem:$0x3F9D] =	sst lr;
	_ =	strace $0xD0000000  }
0x3: {  	_ = 	snop  }
0x4: {  	_ = 	snop  }
0x5: {  	_ = 	snop  }
0x6: {  	_ = 	snop  }
0x7: {  	_ = 	snop  }
__scs_overlays_trampoline_lowered:
0x8: {  	[smem:$0x3FAC] =	sst s0  }
0x9: {  	[smem:$0x3FAD] =	sst s1  }
0xa: {  	[smem:$0x3FAE] =	sst s2  }
0xb: {  	[smem:$0x3FAF] =	sst s3  }
0xc: {  	[smem:$0x3FB0] =	sst s4  }
0xd: {  	[smem:$0x3FB1] =	sst s5  }
0xe: {  	[smem:$0x3FB2] =	sst s6  }
0xf: {  	[smem:$0x3FB3] =	sst s7  }
0x10: {  	[smem:$0x3FB4] =	sst s8  }
0x11: {  	[smem:$0x3FB5] =	sst s9;
	s0 =	simm.s32 @!p0 $0x0  }
0x12: {  	s1 =	sld [smem:$0x3F9B];
	s0 =	simm.s32 @p0 $0x1  }
0x13: {  	[smem:$0x3FB6] =	sst s0;
	s0 =	simm.s32 @!p1 $0x0  }
0x14: {  	s2 =	sld [smem:$0x3F9A];
	s0 =	simm.s32 @p1 $0x1  }
0x15: {  	[smem:$0x3FB7] =	sst s0;
	s0 =	simm.s32 @!p2 $0x0  }
0x16: {  	s3 =	sld [smem:$0x3FDB];
	s0 =	simm.s32 @p2 $0x1  }
0x17: {  	s4 =	simm.s32 $0x1BF5;
	[smem:$0x3FB9] =	sst s0  }
0x18: {  	s0 =	sld [smem:$0x3F9C];
	_ =	swait.ge [sflag:s4], $0x0  }
0x19: {  	s7 =	sld [smem:$0x3F9D]  }
0x1a: {  	s8 =	sadd.s32 $0xFFFFE003, lr  }
0x1b: {  	s9 =	sadd.s32 $0xFFFFFEF7, lr;
	s5 =	simm.s32 $0xFFFFFFFF;
	p2 =	slt.u32 s8, $0xFFFFF086  }
0x1c: {  	p1 =	slt.u32 s9, $0xF7A;
	s5 =	simm.s32 @!p2 $0x0  }
0x1d: {  	s5 =	simm.s32 @p1 $0x1;
	p0 =	seq.s32 s7, s2  }
0x1e: {  	s7 =	smul.u32 @!p0 $0xF7A, s2;
	p2 =	seq.s32 @!p0 s5, $0x0  }
0x1f: {  	s9 =	smul.u32 $0xF7A, s1;
	s8 =	simm.s32 @!p0 $0x1BF5;
	p2 =	por !p2, p0  }
0x20: {  	[sflag:s8] =	ssyncset.s32 @!p0 $0xFFFFF086;
	s6 =	sadd.s32 @!p0 s3, s7;
	s7 =	simm.s32 @!p0 $0x108  }
0x21: {  	s3 =	sadd.s32 s3, s9;
	s6 =	sadd.s32 @!p0 $0x88, s6;
	s7 =	simm.s32 @p2 $0x1082  }
0x22: {  	[simem:s7], [sflag:s8] =	dma.local @!p0 [hbm:s6], $0xF7A  }
0x23: {  	s9 =	sor.u32 $0xD0000000, s2;
	s6 =	simm.s32 $0x108;
	_ =	swait.ge @!p0 [sflag:s8], $0x0  }
0x24: {  	s3 =	sadd.s32 $0x88, s3;
	s6 =	simm.s32 @!p1 $0x1082;
	[sflag:s4] =	ssyncset.s32 $0xFFFFF086  }
0x25: {  	[simem:s6], [sflag:s4] =	dma.local [hbm:s3], $0xF7A  }
0x26: {  	[smem:$0x3F9D] =	sst s1;
	(tag) =	ssettag s2;
	_ =	strace s9  }
0x27: {  	s1 =	sld [smem:$0x3FAD]  }
0x28: {  	s2 =	sld [smem:$0x3FAE]  }
0x29: {  	s4 =	sld [smem:$0x3FB0]  }
0x2a: {  	p0 =	seq.s32 s5, $0x0;
	s5 =	sld [smem:$0x3FB1]  }
0x2b: {  	s6 =	sld [smem:$0x3FB2]  }
0x2c: {  	s7 =	sld [smem:$0x3FB3]  }
0x2d: {  	s3 =	simm.s32 $0x108;
	s8 =	sld [smem:$0x3FB4]  }
0x2e: {  	s3 =	simm.s32 @!p0 $0x1082;
	s9 =	sld [smem:$0x3FB5]  }
0x2f: {  	lr =	sadd.s32 s0, s3;
	s0 =	sld [smem:$0x3FAC]  }
0x30: {  	s3 =	sld [smem:$0x3FAF]  }
0x31: {  	[smem:$0x3FB8] =	sst s10  }
0x32: {  	s10 =	sld [smem:$0x3FB6];
	_ =	sdelay $0x3  }
0x33: {  	p0 =	seq.s32 s10, $0x1;
	s10 =	sld [smem:$0x3FB8];
	_ =	sdelay $0x3  }
0x34: {  	[smem:$0x3FB8] =	sst s10  }
0x35: {  	s10 =	sld [smem:$0x3FB7];
	_ =	sdelay $0x3  }
0x36: {  	p1 =	seq.s32 s10, $0x1;
	s10 =	sld [smem:$0x3FB8];
	_ =	sdelay $0x3  }
0x37: {  	[smem:$0x3FB8] =	sst s10  }
0x38: {  	s10 =	sld [smem:$0x3FB9]  }
0x39: {  	_ = 	snop;
	(pc) =	sbr.ind lr, $3  }
0x3a: {  	_ = 	snop  }
0x3b: {  	_ = 	snop  }
0x3c: {  	p2 =	seq.s32 s10, $0x1;
	s10 =	sld [smem:$0x3FB8]  }
0x3d: {  	_ =	shalt  }
0x3e: {  	_ =	shalt  }
0x3f: {  	_ =	shalt  }
0x40: {  	_ =	shalt  }
0x41: {  	_ =	shalt  }
0x42: {  	_ =	shalt  }
0x43: {  	_ =	shalt  }
0x44: {  	_ =	shalt  }
0x45: {  	_ =	shalt  }
0x46: {  	_ =	shalt  }
0x47: {  	_ =	shalt  }
0x48: {  	_ =	shalt  }
0x49: {  	_ =	shalt  }
0x4a: {  	_ =	shalt  }
0x4b: {  	_ =	shalt  }
0x4c: {  	_ =	shalt  }
0x4d: {  	_ =	shalt  }
0x4e: {  	_ =	shalt  }
0x4f: {  	_ =	shalt  }
0x50: {  	_ =	shalt  }
0x51: {  	_ =	shalt  }
0x52: {  	_ =	shalt  }
0x53: {  	_ =	shalt  }
0x54: {  	_ =	shalt  }
0x55: {  	_ =	shalt  }
0x56: {  	_ =	shalt  }
0x57: {  	_ =	shalt  }
0x58: {  	_ =	shalt  }
0x59: {  	_ =	shalt  }
0x5a: {  	_ =	shalt  }
0x5b: {  	_ =	shalt  }
0x5c: {  	_ =	shalt  }
0x5d: {  	_ =	shalt  }
0x5e: {  	_ =	shalt  }
0x5f: {  	_ =	shalt  }
0x60: {  	_ =	shalt  }
0x61: {  	_ =	shalt  }
0x62: {  	_ =	shalt  }
0x63: {  	_ =	shalt  }
0x64: {  	_ =	shalt  }
0x65: {  	_ =	shalt  }
0x66: {  	_ =	shalt  }
0x67: {  	_ =	shalt  }
0x68: {  	_ =	shalt  }
0x69: {  	_ =	shalt  }
0x6a: {  	_ =	shalt  }
0x6b: {  	_ =	shalt  }
0x6c: {  	_ =	shalt  }
0x6d: {  	_ =	shalt  }
0x6e: {  	_ =	shalt  }
0x6f: {  	_ =	shalt  }
0x70: {  	_ =	shalt  }
0x71: {  	_ =	shalt  }
0x72: {  	_ =	shalt  }
0x73: {  	_ =	shalt  }
0x74: {  	_ =	shalt  }
0x75: {  	_ =	shalt  }
0x76: {  	_ =	shalt  }
0x77: {  	_ =	shalt  }
0x78: {  	_ =	shalt  }
0x79: {  	_ =	shalt  }
0x7a: {  	_ =	shalt  }
0x7b: {  	_ =	shalt  }
0x7c: {  	_ =	shalt  }
0x7d: {  	_ =	shalt  }
0x7e: {  	_ =	shalt  }
0x7f: {  	_ =	shalt  }
0x80: {  	_ =	shalt  }
0x81: {  	_ =	shalt  }
0x82: {  	_ =	shalt  }
0x83: {  	_ =	shalt  }
0x84: {  	_ =	shalt  }
0x85: {  	_ =	shalt  }
0x86: {  	_ =	shalt  }
0x87: {  	_ =	shalt  }
.Lfunc_end0:
.L_simem_size_0:
called_computation_lowered:
.L_overlay_start_0:
0x88: {  	s2 =	sld [smem:$0x3FD9]  }
0x89: {  	s3 =	sld [smem:$0x3FFE];
	_ =	sdelay $0x1  }
0x8a: {  	s1 =	srdreg.scid  }
0x8b: {  	s0 =	sand.u32 $0x1, s1  }
0x8c: {  	s14 =	sshll.u32 s0, $0xA;
	s2 =	sadd.s32 s3, s2  }
0x8d: {  	s2 =	sadd.s32 s2, s14  }
0x8e: {  	[smem:$0x3FC4] =	sst s2  }
0x8f: {  	_ = 	snop  }
0x90: {  	s2 =	sld [smem:$0x3FD0];
	_ =	sdelay $0x1  }
0x91: {  	s15 =	sld [smem:$0x3FC9]  }
0x92: {  	s5 =	simm.s32 $0xA;
	s6 =	simm.s32 $0x10;
	s4 =	sld [smem:$0x3FC8]  }
0x93: {  	[smem:s6], [sflag:s5] =	dma.local [hbm:s2], $0x1  }
0x94: {  	_ =	swait.eq [sflag:s5], $0x1  }
0x95: {  	[sflag:s5] =	ssyncset.done $0x0  }
0x96: {  	s16 =	sld [smem:$0x10];
	[sflag:s5] =	ssyncadd.s32 $0xFFFFFFFF  }
0x97: {  	s17 =	sld [smem:$0x11];
	(tm) =	ssettm $0x1  }
0x98: {  	s18 =	sld [smem:$0x3FFB];
	_ =	sdelay $0x3  }
0x99: {  	_ =	strace s18  }
0x9a: {  	s6 =	sld [smem:$0x3FFC];
	_ =	sdelay $0x3  }
0x9b: {  	_ =	strace s6  }
0x9c: {  	s6 =	sld [smem:$0x3FFD];
	_ =	sdelay $0x3  }
0x9d: {  	_ =	strace s6  }
0x9e: {  	_ =	strace $0x8FFFFFFF  }
0x9f: {  	s19 =	sld [smem:$0x3FDB];
	_ =	sdelay $0x1  }
0xa0: {  	s7 =	simm.s32 $_scs_section_size  }
0xa1: {  	s8 =	simm.s32 $_size__tile_overlayer_lowered;
	s9 =	simm.s32 $_tile_overlayer_lowered  }
0xa2: {  	s22 =	simm.s32 $0x1BFF;
	s21 =	sshll.u32 s9, $0x1;
	s6 =	sadd.s32 s7, s19  }
0xa3: {  	s10 =	simm.s32 $0x0;
	s20 =	sshll.u32 s8, $0x1;
	s8 =	sadd.s32 s21, s6  }
0xa4: {  	[timem:s10], [sflag:s22] =	dma.local [hbm:s8], s20  }
0xa5: {  	_ =	swait.ge [sflag:s22], s20  }
0xa6: {  	s7 =	ssub.s32 $0x0, s20;
	[sflag:s22] =	ssyncset.done $0x0  }
0xa7: {  	[sflag:s22] =	ssyncadd.s32 s7;
	_ =	sdelay $0x1  }
0xa8: {  	s23 =	simm.s32 $0x1B8B  }
0xa9: {  	_ =	swait.ge [sflag:s23], $0x1  }
0xaa: {  	[sflag:s23] =	ssyncset.done $0x0  }
0xab: {  	s25 =	simm.s32 $0x1B8E;
	s24 =	sld [smem:$0x3FFE];
	[sflag:s23] =	ssyncadd.s32 $0xFFFFFFFF  }
0xac: {  	s26 =	simm.s32 $execute0_lowered;
	[smem:$0x3FD2] =	sst s25  }
0xad: {  	s8 =	sshll.u32 s26, $0x1;
	_ =	strace $0x80000046;
	[dreg:$0x1] =	wrdreg $0xFFFFFFFF  }
0xae: {  	s28 =	simm.s32 $_size_execute0_lowered;
	s6 =	sadd.s32 s6, s8;
	[dreg:$0x0] =	wrdreg $0x0  }
0xaf: {  	s8 =	sshll.u32 s28, $0x1;
	[dreg:$0x2] =	wrdreg s6  }
0xb0: {  	[dreg:$0x3] =	wrdreg s8  }
0xb1: {  	[dreg:$0x4] =	wrdreg $0xC0  }
0xb2: {  	_ =	task [dreg:s10], $0x5FFFF  }
0xb3: {  	[dreg:$0x1] =	wrdreg $0xFFFFFFFF  }
0xb4: {  	[dreg:$0x0] =	wrdreg $0x60  }
0xb5: {  	[dreg:$0x2] =	wrdreg s16  }
0xb6: {  	[dreg:$0x3] =	wrdreg s15  }
0xb7: {  	[dreg:$0x4] =	wrdreg s4  }
0xb8: {  	[dreg:$0x5] =	wrdreg s17  }
0xb9: {  	[dreg:$0x6] =	wrdreg s24  }
0xba: {  	[dreg:$0x7] =	wrdreg $0x9  }
0xbb: {  	_ =	task.clear_ibuf [dreg:s10], $0x8FFFF;
	_ =	strace $0x90000046  }
0xbc: {  	s29 =	simm.s32 $0x9;
	_ =	strace $0x80000048  }
0xbd: {  	_ =	swait.ge [sflag:s29], $0x1  }
0xbe: {  	[sflag:s29] =	ssyncadd.s32 $0xFFFFFFFF  }
0xbf: {  	_ =	strace $0x90000048  }
0xc0: {  	_ =	sfence  }
0xc1: {  	s30 =	sld [smem:$0x0];
	_ =	sdelay $0x2  }
0xc2: {  	s31 =	sshll.u32 s1, $0xD;
	s1 =	sshrl.u32 s1, $0x2  }
0xc3: {  	s3 =	sand.u32 $0x4000, s31;
	s1 =	sadd.s32 s1, s30  }
0xc4: {  	s0 =	sor.u32 s3, s0;
	s1 =	sshll.u32 s1, $0x11  }
0xc5: {  	s0 =	sor.u32 s1, s0  }
0xc6: {  	s0 =	sadd.s32 $0x8F2B, s0  }
0xc7: {  	[sflag:s0] =	ssyncadd.remote.s32 $0x1  }
0xc8: {  	_ =	sfence.sel $0xFFFF  }
0xc9: {  	[dreg:$0x0] =	wrdreg $0xFFFFFFFF;
	(pc) =	sbr.abs _section_cstart, $3  }
0xca: {  	[dreg:$0x1] =	wrdreg $0xFFFFFFFF  }
0xcb: {  	_ =	task.clear_ibuf [dreg:s10], $0x2FFFF;
	_ =	strace $0x9FFFFFFF  }
0xcc: {  	(tm) =	ssettm $0x7FFFFFFF  }
0xcd: {  	_ =	shalt  }
tec
execute0_lowered:
.L_overlay_start_1:
0x0: {  	(tag) =	ssettag $0x1  }
0x1: {  	s1 =	rddreg [dreg:$0x0]  }
0x2: {  	s2 =	rddreg [dreg:$0x1]  }
0x3: {  	s3 =	rddreg [dreg:$0x2]  }
0x4: {  	s4 =	rddreg [dreg:$0x3]  }
0x5: {  	s8 =	rddreg [dreg:$0x4]  }
0x6: {  	s5 =	srdreg.scid;
	s0 =	rddreg [dreg:$0x5]  }
0x7: {  	s6 =	simm.s32 $0x0;
	s12 =	simm.s32 $0x80;
	s13 =	simm.s32 $0x1E080  }
.Ltmp0:
0x8: {  	s14 =	simm.s32 $0x0;
	s9 =	sand.u32 $0x1, s5;
	(pc) =	sbr.rel .LBB2_1-.Ltmp0, $4  }
0x9: {  	[smem:$0x7FF] =	sst s6;
	s5 =	stileid.u32;
	s10 =	ssub.s32 $0x2, s9  }
0xa: {  	s8 =	sadd.s32 $0x800, s8;
	s7 =	smul.u32 $0x3C0, s5;
	s11 =	sshrl.u32 s10, $0x1  }
0xb: {  	v0 =	vlaneseq.u32;
	_ =	strace $0x80000047;
	p0 =	seq.s32 s9, $0x1;
	s10 =	ssub.s32 s10, s11  }
0xc: {  	v0 =	vmul.u32 $0x80, v0;
	s9 =	sshrl.u32 s7, $0x3;
	s11 =	simm.s32 $0x1;
	s10 =	smax.u32 s10, $0x1  }
.LBB2_7:
0xd: {  	_ =	sdelay $0x2  }
0xe: {  	v3 =	vshll.u32 v3, $0x7  }
0xf: {  	v2 =	vld.idx.msk [tilespmem:v2+s12+$0x0], $0xffff;
	v3 =	vor.u32 v0, v3  }
0x10: {  	v1 =	vadd.s32 v1, v3;
	_ =	sdelay $0x2  }
0x11: {  	s15 =	sadd.s32 $0x10, s15  }
0x12: {  	[tilespmem:s15+$0x0] =	vst v2  }
0x13: {  	v1 =	vld.idx.msk [tilespmem:v1+s12+$0x0], $0xffff;
	_ =	sdelay $0x3  }
0x14: {  	s15 =	sadd.s32 $0x10, s15  }
0x15: {  	[tilespmem:s15+$0x0] =	vst v1;
	s15 =	smov.u32 s8  }
.LBB2_8:
0x16: {  	s14 =	sadd.s32 $0x1, s14  }
0x17: {  	p1 =	sne.s32 s14, s10  }
.Ltmp1:
0x18: {  	s15 =	sadd.s32 s15, s9;
	(pc) =	sbr.rel @!p1 .LBB2_9-.Ltmp1, $4  }
0x19: {  	[hbm4b:s15+s6] =	stream.linear.scatter [tilespmem:s13], [sflag:$0x1], $0x3C0, $0x38;
	[tilespmem:$0x1E480] =	vst v63  }
0x1a: {  	_ =	swait.ge [sflag:s11], $0x3C0  }
0x1b: {  	[sflag:s11] =	ssyncset.done $0x0  }
0x1c: {  	[sflag:s11] =	ssyncadd.s32 $0xFFFFFC40  }
.LBB2_1:
0x1d: {  	[tilespmem:s6], [sflag:$0x1] =	stream.linear.gather [hbm4b:s1+s6], $0x80, $0x38;
	[tilespmem:$0x1E480] =	vst v63  }
0x1e: {  	_ =	swait.ge [sflag:s11], $0x80  }
0x1f: {  	[sflag:s11] =	ssyncset.done $0x0  }
0x20: {  	[sflag:s11] =	ssyncadd.s32 $0xFFFFFF80  }
0x21: {  	v1 =	vld [tilespmem:$0x10];
	_ =	sdelay $0x4  }
0x22: {  	v1 =	vxor.u32 $0x80000000, v1  }
0x23: {  	(xrf0) =	vmax.scan.msk.u32 $0xffff, v1;
	_ =	sdelay $0x5  }
0x24: {  	v1, _, _ =	vpop (xrf0)  }
0x25: {  	(v2sf) =	vpush v1, $0xF;
	_ =	sdelay $0xe  }
.Ltmp2:
0x26: {  	s15 =	spop (v2sf);
	(pc) =	sbr.rel @!p0 .LBB2_2-.Ltmp2, $4  }
0x27: {  	s16 =	simm.s32 $0x0;
	s15 =	smul.u32 $0x3C00, s15  }
0x28: {  	v2 =	vmov s16;
	v1 =	vld [tilespmem:$0x0]  }
0x29: {  	v2 =	vshll.u32 v2, $0x7;
	s15 =	sadd.s32 s7, s15  }
0x2a: {  	v2 =	vor.u32 v0, v2;
	s15 =	sshll.u32 s15, $0x4  }
0x2b: {  	_ =	sdelay $0x1  }
0x2c: {  	s15 =	sadd.s32 s3, s15;
	v2 =	vadd.s32 v1, v2  }
0x2d: {  	[tilespmem:s12], [sflag:$0x1] =	stream.linear.gather [hbm4b:s15+s16], $0x1E000, $0x38;
	[tilespmem:$0x1E480] =	vst v63  }
0x2e: {  	_ =	swait.ge [sflag:s11], $0x1E000  }
0x2f: {  	[sflag:s11] =	ssyncset.done $0x0  }
0x30: {  	s30 =	simm.s32 $0x10;
	[sflag:s11] =	ssyncadd.s32 $0xFFFE2000  }
0x31: {  	v4 =	vld.idx.msk [tilespmem:v2+s12+$0x0], $0xffff;
	v2 =	vmov s30  }
0x32: {  	v2 =	vshll.u32 v2, $0x7  }
0x33: {  	v2 =	vor.u32 v0, v2  }
0x34: {  	v2 =	vadd.s32 v1, v2;
	_ =	sdelay $0x2  }
0x35: {  	s31 =	simm.s32 $0x20;
	s15 =	simm.s32 $0x1E080  }
0x36: {  	v3 =	vmov s31;
	s16 =	simm.s32 $0x30;
	[tilespmem:s15+$0x0] =	vst v4  }
.LBB2_6:
0x37: {  	p1 =	sne.s32 s16, $0x3B0;
	v3 =	vshll.u32 v3, $0x7;
	v4 =	vld.idx.msk [tilespmem:v2+s12+$0x0], $0xffff  }
0x38: {  	v2 =	vor.u32 v0, v3  }
.Ltmp3:
0x39: {  	v2 =	vadd.s32 v1, v2;
	(pc) =	sbr.rel @p1 .LBB2_6-.Ltmp3, $3  }
0x3a: {  	_ =	sdelay $0x1  }
0x3b: {  	s15 =	sadd.s32 $0x10, s15  }
0x3c: {  	v3 =	vmov s16;
	s16 =	sadd.s32 $0x10, s16;
	[tilespmem:s15+$0x0] =	vst v4  }
.Ltmp4:
0x3d: {  	_ = 	snop;
	(pc) =	sbr.rel .LBB2_7-.Ltmp4, $1  }
0x3e: {  	_ =	sdelay $0x3  }
.LBB2_2:
0x3f: {  	_ =	sdelay $0x1  }
0x40: {  	s15 =	sadd.s32 s2, s15;
	v2 =	vadd.s32 v1, v2  }
0x41: {  	[tilespmem:s12], [sflag:$0x1] =	stream.linear.gather [hbm4b:s15+s16], $0x1E000, $0x38;
	[tilespmem:$0x1E480] =	vst v63  }
0x42: {  	_ =	swait.ge [sflag:s11], $0x1E000  }
0x43: {  	[sflag:s11] =	ssyncset.done $0x0  }
0x44: {  	s30 =	simm.s32 $0x10;
	[sflag:s11] =	ssyncadd.s32 $0xFFFE2000  }
0x45: {  	v4 =	vld.idx.msk [tilespmem:v2+s12+$0x0], $0xffff;
	v2 =	vmov s30  }
0x46: {  	v2 =	vshll.u32 v2, $0x7  }
0x47: {  	v2 =	vor.u32 v0, v2  }
0x48: {  	v2 =	vadd.s32 v1, v2;
	_ =	sdelay $0x2  }
0x49: {  	s31 =	simm.s32 $0x20;
	s15 =	simm.s32 $0x1E080  }
0x4a: {  	v3 =	vmov s31;
	s16 =	simm.s32 $0x30;
	[tilespmem:s15+$0x0] =	vst v4  }
.LBB2_3:
0x4b: {  	p1 =	seq.s32 s16, $0x3B0;
	v3 =	vshll.u32 v3, $0x7;
	v4 =	vld.idx.msk [tilespmem:v2+s12+$0x0], $0xffff  }
0x4c: {  	v2 =	vor.u32 v0, v3  }
.Ltmp5:
0x4d: {  	v2 =	vadd.s32 v1, v2;
	(pc) =	sbr.rel @!p1 .LBB2_3-.Ltmp5, $3  }
0x4e: {  	_ =	sdelay $0x1  }
0x4f: {  	s15 =	sadd.s32 $0x10, s15  }
0x50: {  	v3 =	vmov s16;
	s16 =	sadd.s32 $0x10, s16;
	[tilespmem:s15+$0x0] =	vst v4  }
0x51: {  	_ =	sdelay $0x2  }
0x52: {  	v3 =	vshll.u32 v3, $0x7  }
0x53: {  	v2 =	vld.idx.msk [tilespmem:v2+s12+$0x0], $0xffff;
	v3 =	vor.u32 v0, v3  }
0x54: {  	v1 =	vadd.s32 v1, v3;
	_ =	sdelay $0x2  }
0x55: {  	s15 =	sadd.s32 $0x10, s15  }
0x56: {  	[tilespmem:s15+$0x0] =	vst v2  }
0x57: {  	v1 =	vld.idx.msk [tilespmem:v1+s12+$0x0], $0xffff  }
.Ltmp6:
0x58: {  	_ = 	snop;
	(pc) =	sbr.rel .LBB2_8-.Ltmp6, $3  }
0x59: {  	_ =	sdelay $0x1  }
0x5a: {  	s15 =	sadd.s32 $0x10, s15  }
0x5b: {  	[tilespmem:s15+$0x0] =	vst v1;
	s15 =	smov.u32 s4  }
.LBB2_9:
0x5c: {  	_ =	sfence.sel $0x180000  }
0x5d: {  	[bflag:$0x0] =	sbarrier.arrive $0xFFFF  }
0x5e: {  	p0 =	sne.s32 s5, $0x0;
	_ =	strace $0x90000047  }
0x5f: {  	s0 =	sadd.s32 @!p0 $0x100000, s0;
	[bflag:$0x2] =	sbarrier.arrive $0xFFFF  }
0x60: {  	[sflag:s0] =	ssyncadd.tile.s32 @!p0 $0x1;
	_ =	shalt  }
.Lfunc_end2:
_tile_overlayer_lowered:
.L_overlay_start_2:
0x61: {  	(tag) =	ssettag $0x2  }
0x62: {  	s0 =	rddreg [dreg:$0x0];
	s2 =	stileid.u32  }
0x63: {  	s1 =	rddreg [dreg:$0x1];
	p0 =	sne.s32 s2, $0x0  }
0x64: {  	s3 =	rddreg [dreg:$0x2];
	[bflag:$0x3] =	sbarrier.arrive $0xFFFF;
	s2 =	simm.s32 @!p0 $0x1C01  }
0x65: {  	[timem:s3], [sflag:s2] =	dma.local @!p0 [hbm:s0], s1  }
0x66: {  	s0 =	simm.s32 @!p0 $0x1  }
0x67: {  	_ =	swait.ge @!p0 [sflag:s0], s1  }
0x68: {  	s1 =	ssub.s32 @!p0 $0x0, s1;
	[sflag:s0] =	ssyncset.done @!p0 $0x0  }
0x69: {  	[sflag:s0] =	ssyncadd.s32 @!p0 s1  }
0x6a: {  	[bflag:$0x3] =	sbarrier.arrive $0xFFFF  }
0x6b: {  	_ =	shalt  }

</sc_bundles>
